<compile_context>
chip_gen: v7x
topology: tpu7x:2x2x1
jax: 0.10.2.dev20260603
libtpu: 0.0.44.dev20260713+nightly
codegen_flags: <defaults>
</compile_context>

<pallas_src>
import functools
import math

import jax
import jax.numpy as jnp
from jax.experimental import pallas as pl
from jax.experimental.pallas import tpu as pltpu

_RADIUS = 1.3
_TAU = 1.0

_WSZ = 512


def _composite_body(im, pb, inv_r, start_ref, xs_ref, ys_ref, zr_ref, zc_ref,
                    f_ref, o_ref):
    b = pl.program_id(0)
    p = pl.program_id(1)
    flat = p * pb + jax.lax.broadcasted_iota(jnp.int32, (pb, 1), 0)
    h = flat // im
    w = flat - h * im
    scale = 2.0 / im * inv_r
    py = (1.0 * inv_r) - (h.astype(jnp.float32) + 0.5) * scale
    px = (1.0 * inv_r) - (w.astype(jnp.float32) + 0.5) * scale

    start = pl.multiple_of(start_ref[b, p], 128)
    sl = pl.ds(start, _WSZ)
    xw = xs_ref[0, :, sl]
    yw = ys_ref[0, :, sl]
    dx = px - xw
    dy = py - yw
    dist = dx * dx + dy * dy
    sq = jnp.sqrt(jnp.clip(dist, 0.001, 1.0))
    a = 1.0 - sq
    l = jnp.log(sq)

    z_row = zr_ref[0, :, sl]
    z_col = zc_ref[0, sl, :]
    zmat = (z_col < z_row).astype(jnp.float32)
    s = jax.lax.dot_general(
        l, zmat, dimension_numbers=(((1,), (0,)), ((), ())),
        preferred_element_type=jnp.float32)
    wgt = a * jnp.exp(s)
    fw = f_ref[0, :, sl]
    acc = jax.lax.dot_general(
        fw, wgt, dimension_numbers=(((1,), (1,)), ((), ())),
        preferred_element_type=jnp.float32)
    o_ref[0] = acc


@jax.jit
def kernel(pts3D, src):
    pts3D = pts3D.astype(jnp.float32)
    src = src.astype(jnp.float32)
    B, C, N = src.shape
    im = int(math.isqrt(N))
    radius = float(_RADIUS) / float(im) * 2.0
    inv_r = 1.0 / radius

    x = -pts3D[..., 0]
    y = -pts3D[..., 1]
    z = pts3D[..., 2]
    valid = z > 0.0
    far = jnp.float32(1e9)
    ykey = jnp.where(valid, y, far)
    xk = jnp.where(valid, x, far) * inv_r
    iota = jnp.broadcast_to(jnp.arange(N, dtype=jnp.int32), (B, N))
    ysr, xs, zs, order = jax.lax.sort((ykey, xk, z, iota),
                                      dimension=1, num_keys=1)
    ys = ysr * inv_r
    feats = jnp.take_along_axis(src, order[:, None, :], axis=2)

    HW = im * im
    PB = 512
    rows_per_blk = PB // im
    nblk = HW // PB
    blk = jnp.arange(nblk, dtype=jnp.float32)
    y_bot = 1.0 - ((blk + 1) * rows_per_blk - 0.5) * (2.0 / im)
    lo = y_bot - radius
    starts = jnp.sum(ykey[:, :, None] < lo[None, None, :],
                     axis=1).astype(jnp.int32)
    starts = (starts // 128) * 128
    starts = jnp.minimum(starts, N - _WSZ)

    grid = (B, nblk)
    out = pl.pallas_call(
        functools.partial(_composite_body, im, PB, inv_r),
        grid=grid,
        in_specs=[
            pl.BlockSpec(memory_space=pltpu.SMEM),
            pl.BlockSpec((1, 1, N), lambda b, p: (b, 0, 0)),
            pl.BlockSpec((1, 1, N), lambda b, p: (b, 0, 0)),
            pl.BlockSpec((1, 1, N), lambda b, p: (b, 0, 0)),
            pl.BlockSpec((1, N, 1), lambda b, p: (b, 0, 0)),
            pl.BlockSpec((1, C, N), lambda b, p: (b, 0, 0)),
        ],
        out_specs=pl.BlockSpec((1, C, PB), lambda b, p: (b, 0, p)),
        out_shape=jax.ShapeDtypeStruct((B, C, HW), jnp.float32),
    )(starts, xs[:, None, :], ys[:, None, :], zs[:, None, :],
      zs[:, :, None], feats)
    return out.reshape(B, C, im, im).astype(jnp.float16)

# --- scband reference (transcript-rebuilt; emitter-appended) ---
"""Pipeline reference for scband-rasterize-points-xys-blending-55293408968876 (READ-ONLY COPY).

The authoritative reference and input builder live on the scoring server;
editing this copy changes nothing except your own understanding.
"""

import jax, jax.numpy as jnp
import numpy as np

RADIUS = 1.3
PPP = 15
TAU = 1.0
RAD_POW = 2

def setup_inputs(seed: int = 0):
    key = jax.random.key(seed)
    k1, k2 = jax.random.split(key)
    B, N, C = 2, 4096, 128
    pts3D = jax.random.normal(k1, (B, N, 3), dtype=jnp.float32)
    src = jax.random.normal(k2, (B, C, N), dtype=jnp.float32)
    return {"pts3D": pts3D, "src": src}

def _rasterize_points(points, im_size, radius, K):
    # points: [B, N, 3] in NDC (pytorch3d convention: +X left, +Y up, z>0 visible)
    B, N, _ = points.shape
    pix = 1.0 - 2.0 * (jnp.arange(im_size, dtype=jnp.float32) + 0.5) / im_size
    r2 = radius * radius

    def one_cloud(x, y, z, offset):
        def row_fn(yc):
            dx = pix[:, None] - x[None, :]              # [W, N]
            dy = yc - y                                  # [N]
            d2 = dx * dx + (dy * dy)[None, :]            # [W, N]
            inside = (d2 < r2) & (z[None, :] > 0.0)
            zbuf = jnp.where(inside, z[None, :], jnp.inf)
            vals, idx = jax.lax.top_k(-zbuf, K)          # K smallest z among in-radius pts
            valid = jnp.isfinite(vals)
            dist_k = jnp.take_along_axis(d2, idx, axis=1)
            idx_packed = jnp.where(valid, idx + offset, -1)
            dist_k = jnp.where(valid, dist_k, -1.0)
            return idx_packed, dist_k
        return jax.lax.map(row_fn, pix)                  # ([H, W, K], [H, W, K])

    offsets = jnp.arange(B, dtype=jnp.int32) * N
    idx, dist = jax.vmap(one_cloud)(points[..., 0], points[..., 1], points[..., 2], offsets)
    return idx, dist                                     # [B, H, W, K]

def _alpha_composite(points_idx, alphas, features):
    # points_idx, alphas: [B, K, H, W]; features: [C, B*N]
    mask = points_idx >= 0
    a = jnp.where(mask, alphas, 0.0)
    t = jnp.cumprod(1.0 - a, axis=1)
    t_prev = jnp.concatenate([jnp.ones_like(t[:, :1]), t[:, :-1]], axis=1)
    w = a * t_prev
    safe_idx = jnp.where(mask, points_idx, 0)
    feats = jnp.take(features, safe_idx, axis=1)         # [C, B, K, H, W]
    out = jnp.sum(feats * w[None], axis=2)               # [C, B, H, W]
    return jnp.transpose(out, (1, 0, 2, 3))              # [B, C, H, W]

def _forward(pts3D, src):
    pts3D = pts3D.astype(jnp.float32)
    src = src.astype(jnp.float32)
    B, C, N = src.shape
    im_size = int(np.sqrt(N))
    pts = pts3D * jnp.array([-1.0, -1.0, 1.0], dtype=jnp.float32)  # flip x and y
    radius = float(RADIUS) / float(im_size) * 2.0
    idx, dist = _rasterize_points(pts, im_size, radius, PPP)
    dist = dist / (radius ** RAD_POW)
    alphas = (1.0 - jnp.clip(dist, 0.001, 1.0) ** 0.5) ** TAU
    idx_bk = jnp.transpose(idx, (0, 3, 1, 2))
    alphas_bk = jnp.transpose(alphas, (0, 3, 1, 2))
    features = jnp.transpose(src, (0, 2, 1)).reshape(B * N, C).T   # [C, B*N] packed
    return _alpha_composite(idx_bk, alphas_bk, features)

def reference(pts3D, src):
    return _forward(pts3D, src).astype(jnp.float16)

if __name__ == "__main__":
    import jax
    _d = setup_inputs()
    print(jax.jit(kernel)(*tuple(_d.values())))

</pallas_src>

<mosaic_0001>
module attributes {stable_mosaic.version = 14 : i64} {
  func.func @_composite_body(%arg0: i32, %arg1: i32, %arg2: memref<2x8xi32, #tpu.memory_space<smem>>, %arg3: memref<1x1x4096xf32, #tpu.memory_space<vmem>>, %arg4: memref<1x1x4096xf32, #tpu.memory_space<vmem>>, %arg5: memref<1x1x4096xf32, #tpu.memory_space<vmem>>, %arg6: memref<1x4096x1xf32, #tpu.memory_space<vmem>>, %arg7: memref<1x128x4096xf32, #tpu.memory_space<vmem>>, %arg8: memref<1x128x512xf32, #tpu.memory_space<vmem>>) attributes {dimension_semantics = [#tpu.dimension_semantics<arbitrary>, #tpu.dimension_semantics<arbitrary>], iteration_bounds = array<i64: 2, 8>, scalar_prefetch = 0 : i64, scratch_operands = 0 : i64, tpu.core_type = #tpu.core_type<tc>, window_params = [{transform_indices = @transform_0, window_bounds = array<i64: 2, 8>}, {transform_indices = @transform_1, window_bounds = array<i64: 1, 1, 4096>}, {transform_indices = @transform_2, window_bounds = array<i64: 1, 1, 4096>}, {transform_indices = @transform_3, window_bounds = array<i64: 1, 1, 4096>}, {transform_indices = @transform_4, window_bounds = array<i64: 1, 4096, 1>}, {transform_indices = @transform_5, window_bounds = array<i64: 1, 128, 4096>}, {transform_indices = @transform_6, window_bounds = array<i64: 1, 128, 512>}]} {
    %mul3A = arith.constant 512 : i32
    %mul3A_0 = arith.muli %arg1, %mul3A : i32
    %iota3A = tpu.iota {dimensions = array<i32: 0>} : vector<512x1xi32>
    %add3A = vector.broadcast %mul3A_0 : i32 to vector<512x1xi32>
    %add3A_1 = arith.addi %add3A, %iota3A : vector<512x1xi32>
    %jit3A = arith.constant 64 : i32
    %div3A = vector.broadcast %jit3A : i32 to vector<512x1xi32>
    %div3A_2 = arith.divsi %add3A_1, %div3A : vector<512x1xi32>
    %sign3A = arith.constant 0 : i32
    %sign3A_3 = vector.broadcast %sign3A : i32 to vector<512x1xi32>
    %sign3A_4 = arith.cmpi sgt, %add3A_1, %sign3A_3 : vector<512x1xi32>
    %sign3A_5 = arith.extui %sign3A_4 : vector<512x1xi1> to vector<512x1xi32>
    %sign3A_6 = arith.constant 0 : i32
    %sign3A_7 = vector.broadcast %sign3A_6 : i32 to vector<512x1xi32>
    %sign3A_8 = arith.cmpi slt, %add3A_1, %sign3A_7 : vector<512x1xi32>
    %sign3A_9 = arith.extui %sign3A_8 : vector<512x1xi1> to vector<512x1xi32>
    %sign3A_10 = arith.subi %sign3A_5, %sign3A_9 : vector<512x1xi32>
    %sign3A_11 = arith.constant 0 : i32
    %sign3A_12 = arith.cmpi sgt, %jit3A, %sign3A_11 : i32
    %sign3A_13 = arith.extui %sign3A_12 : i1 to i32
    %sign3A_14 = arith.constant 0 : i32
    %sign3A_15 = arith.cmpi slt, %jit3A, %sign3A_14 : i32
    %sign3A_16 = arith.extui %sign3A_15 : i1 to i32
    %sign3A_17 = arith.subi %sign3A_13, %sign3A_16 : i32
    %ne3A = vector.broadcast %sign3A_17 : i32 to vector<512x1xi32>
    %ne3A_18 = arith.cmpi ne, %sign3A_10, %ne3A : vector<512x1xi32>
    %rem3A = vector.broadcast %jit3A : i32 to vector<512x1xi32>
    %rem3A_19 = arith.remsi %add3A_1, %rem3A : vector<512x1xi32>
    %ne3A_20 = arith.constant 0 : i32
    %ne3A_21 = vector.broadcast %ne3A_20 : i32 to vector<512x1xi32>
    %ne3A_22 = arith.cmpi ne, %rem3A_19, %ne3A_21 : vector<512x1xi32>
    %and3A = arith.andi %ne3A_18, %ne3A_22 : vector<512x1xi1>
    %sub3A = arith.constant 1 : i32
    %sub3A_23 = vector.broadcast %sub3A : i32 to vector<512x1xi32>
    %sub3A_24 = arith.subi %div3A_2, %sub3A_23 : vector<512x1xi32>
    %select_n3A = arith.select %and3A, %sub3A_24, %div3A_2 : vector<512x1xi1>, vector<512x1xi32>
    %mul3A_25 = arith.constant 64 : i32
    %mul3A_26 = vector.broadcast %mul3A_25 : i32 to vector<512x1xi32>
    %mul3A_27 = arith.muli %select_n3A, %mul3A_26 : vector<512x1xi32>
    %sub3A_28 = arith.subi %add3A_1, %mul3A_27 : vector<512x1xi32>
    %convert_element_type3A = arith.sitofp %select_n3A : vector<512x1xi32> to vector<512x1xf32>
    %add3A_29 = arith.constant 5.000000e-01 : f32
    %add3A_30 = vector.broadcast %add3A_29 : f32 to vector<512x1xf32>
    %add3A_31 = arith.addf %convert_element_type3A, %add3A_30 : vector<512x1xf32>
    %mul3A_32 = arith.constant 0.769230782 : f32
    %mul3A_33 = vector.broadcast %mul3A_32 : f32 to vector<512x1xf32>
    %mul3A_34 = arith.mulf %add3A_31, %mul3A_33 : vector<512x1xf32>
    %sub3A_35 = arith.constant 24.6153851 : f32
    %sub3A_36 = vector.broadcast %sub3A_35 : f32 to vector<512x1xf32>
    %sub3A_37 = arith.subf %sub3A_36, %mul3A_34 : vector<512x1xf32>
    %convert_element_type3A_38 = arith.sitofp %sub3A_28 : vector<512x1xi32> to vector<512x1xf32>
    %add3A_39 = arith.constant 5.000000e-01 : f32
    %add3A_40 = vector.broadcast %add3A_39 : f32 to vector<512x1xf32>
    %add3A_41 = arith.addf %convert_element_type3A_38, %add3A_40 : vector<512x1xf32>
    %mul3A_42 = arith.constant 0.769230782 : f32
    %mul3A_43 = vector.broadcast %mul3A_42 : f32 to vector<512x1xf32>
    %mul3A_44 = arith.mulf %add3A_41, %mul3A_43 : vector<512x1xf32>
    %sub3A_45 = arith.constant 24.6153851 : f32
    %sub3A_46 = vector.broadcast %sub3A_45 : f32 to vector<512x1xf32>
    %sub3A_47 = arith.subf %sub3A_46, %mul3A_44 : vector<512x1xf32>
    %get3A = arith.index_cast %arg0 : i32 to index
    %get3A_48 = arith.index_cast %arg1 : i32 to index
    %get3A_49 = memref.load %arg2[%get3A, %get3A_48] : memref<2x8xi32, #tpu.memory_space<smem>>
    %multiple_of3A = tpu.assume_multiple %get3A_49, 128 : i32
    %get3A_50 = arith.constant 0 : index
    %get3A_51 = arith.constant 0 : index
    %get3A_52 = arith.index_cast %multiple_of3A : i32 to index
    %get3A_53 = vector.load %arg3[%get3A_50, %get3A_51, %get3A_52] : memref<1x1x4096xf32, #tpu.memory_space<vmem>>, vector<1x1x512xf32>
    %get3A_54 = vector.shape_cast %get3A_53 : vector<1x1x512xf32> to vector<1x512xf32>
    %get3A_55 = arith.constant 0 : index
    %get3A_56 = arith.constant 0 : index
    %get3A_57 = arith.index_cast %multiple_of3A : i32 to index
    %get3A_58 = vector.load %arg4[%get3A_55, %get3A_56, %get3A_57] : memref<1x1x4096xf32, #tpu.memory_space<vmem>>, vector<1x1x512xf32>
    %get3A_59 = vector.shape_cast %get3A_58 : vector<1x1x512xf32> to vector<1x512xf32>
    %sub3A_60 = vector.broadcast %sub3A_47 : vector<512x1xf32> to vector<512x512xf32>
    %sub3A_61 = vector.broadcast %get3A_54 : vector<1x512xf32> to vector<512x512xf32>
    %sub3A_62 = arith.subf %sub3A_60, %sub3A_61 : vector<512x512xf32>
    %sub3A_63 = vector.broadcast %sub3A_37 : vector<512x1xf32> to vector<512x512xf32>
    %sub3A_64 = vector.broadcast %get3A_59 : vector<1x512xf32> to vector<512x512xf32>
    %sub3A_65 = arith.subf %sub3A_63, %sub3A_64 : vector<512x512xf32>
    %mul3A_66 = arith.mulf %sub3A_62, %sub3A_62 : vector<512x512xf32>
    %mul3A_67 = arith.mulf %sub3A_65, %sub3A_65 : vector<512x512xf32>
    %add3A_68 = arith.addf %mul3A_66, %mul3A_67 : vector<512x512xf32>
    %jit3A_69 = arith.constant 1.000000e-03 : f32
    %jit3A_70 = arith.constant 1.000000e+00 : f32
    %max3A = vector.broadcast %jit3A_69 : f32 to vector<512x512xf32>
    %max3A_71 = arith.maximumf %max3A, %add3A_68 : vector<512x512xf32>
    %min3A = vector.broadcast %jit3A_70 : f32 to vector<512x512xf32>
    %min3A_72 = arith.minimumf %min3A, %max3A_71 : vector<512x512xf32>
    %sqrt3A = math.sqrt %min3A_72 : vector<512x512xf32>
    %sub3A_73 = arith.constant 1.000000e+00 : f32
    %sub3A_74 = vector.broadcast %sub3A_73 : f32 to vector<512x512xf32>
    %sub3A_75 = arith.subf %sub3A_74, %sqrt3A : vector<512x512xf32>
    %log3A = math.log %sqrt3A : vector<512x512xf32>
    %get3A_76 = arith.constant 0 : index
    %get3A_77 = arith.constant 0 : index
    %get3A_78 = arith.index_cast %multiple_of3A : i32 to index
    %get3A_79 = vector.load %arg5[%get3A_76, %get3A_77, %get3A_78] : memref<1x1x4096xf32, #tpu.memory_space<vmem>>, vector<1x1x512xf32>
    %get3A_80 = vector.shape_cast %get3A_79 : vector<1x1x512xf32> to vector<1x512xf32>
    %get3A_81 = arith.constant 0 : index
    %get3A_82 = arith.index_cast %multiple_of3A : i32 to index
    %get3A_83 = arith.constant 0 : index
    %get3A_84 = vector.load %arg6[%get3A_81, %get3A_82, %get3A_83] : memref<1x4096x1xf32, #tpu.memory_space<vmem>>, vector<1x512x1xf32>
    %get3A_85 = vector.shape_cast %get3A_84 : vector<1x512x1xf32> to vector<512x1xf32>
    %lt3A = vector.broadcast %get3A_85 : vector<512x1xf32> to vector<512x512xf32>
    %lt3A_86 = vector.broadcast %get3A_80 : vector<1x512xf32> to vector<512x512xf32>
    %lt3A_87 = arith.cmpf olt, %lt3A, %lt3A_86 : vector<512x512xf32>
    %convert_element_type3A_88 = arith.extui %lt3A_87 : vector<512x512xi1> to vector<512x512xi32>
    %convert_element_type3A_89 = arith.sitofp %convert_element_type3A_88 : vector<512x512xi32> to vector<512x512xf32>
    %dot_general3A = arith.constant dense<0.000000e+00> : vector<512x512xf32>
    %dot_general3A_90 = tpu.matmul %log3A, %convert_element_type3A_89, %dot_general3A {dimension_numbers = #tpu.dot_dimension_numbers<[1], [0], [0], [1], [0, 0, 1, 1], [], []>, transpose_lhs_hint = false} : vector<512x512xf32>, vector<512x512xf32>, vector<512x512xf32> -> vector<512x512xf32>
    %exp3A = math.exp %dot_general3A_90 : vector<512x512xf32>
    %mul3A_91 = arith.mulf %sub3A_75, %exp3A : vector<512x512xf32>
    %get3A_92 = arith.constant 0 : index
    %get3A_93 = arith.constant 0 : index
    %get3A_94 = arith.index_cast %multiple_of3A : i32 to index
    %get3A_95 = vector.load %arg7[%get3A_92, %get3A_93, %get3A_94] : memref<1x128x4096xf32, #tpu.memory_space<vmem>>, vector<1x128x512xf32>
    %get3A_96 = vector.shape_cast %get3A_95 : vector<1x128x512xf32> to vector<128x512xf32>
    %dot_general3A_97 = arith.constant dense<0.000000e+00> : vector<128x512xf32>
    %dot_general3A_98 = tpu.matmul %get3A_96, %mul3A_91, %dot_general3A_97 {dimension_numbers = #tpu.dot_dimension_numbers<[1], [1], [0], [0], [0, 0, 1, 0], [], []>, transpose_lhs_hint = false} : vector<128x512xf32>, vector<512x512xf32>, vector<128x512xf32> -> vector<128x512xf32>
    %swap3A = arith.constant 0 : index
    %swap3A_99 = arith.constant 0 : index
    %swap3A_100 = arith.constant 0 : index
    %swap3A_101 = vector.load %arg8[%swap3A, %swap3A_99, %swap3A_100] : memref<1x128x512xf32, #tpu.memory_space<vmem>>, vector<1x128x512xf32>
    %swap3A_102 = vector.shape_cast %swap3A_101 : vector<1x128x512xf32> to vector<128x512xf32>
    %swap3A_103 = vector.shape_cast %dot_general3A_98 : vector<128x512xf32> to vector<1x128x512xf32>
    tpu.vector_store %arg8[%swap3A, %swap3A_99, %swap3A_100], %swap3A_103 {strides = array<i32>} : memref<1x128x512xf32, #tpu.memory_space<vmem>>, vector<1x128x512xf32>,
    return
  }
  func.func @transform_0(%arg0: i32, %arg1: i32) -> (i32, i32) {
    %c0_i32 = arith.constant 0 : i32
    %c0_i32_0 = arith.constant 0 : i32
    %c0_i32_1 = arith.constant 0 : i32
    return %c0_i32, %c0_i32_0 : i32, i32
  }
  func.func @transform_1(%arg0: i32, %arg1: i32) -> (i32, i32, i32) {
    %c0_i32 = arith.constant 0 : i32
    %c0_i32_0 = arith.constant 0 : i32
    %c0_i32_1 = arith.constant 0 : i32
    return %arg0, %c0_i32, %c0_i32_0 : i32, i32, i32
  }
  func.func @transform_2(%arg0: i32, %arg1: i32) -> (i32, i32, i32) {
    %c0_i32 = arith.constant 0 : i32
    %c0_i32_0 = arith.constant 0 : i32
    %c0_i32_1 = arith.constant 0 : i32
    return %arg0, %c0_i32, %c0_i32_0 : i32, i32, i32
  }
  func.func @transform_3(%arg0: i32, %arg1: i32) -> (i32, i32, i32) {
    %c0_i32 = arith.constant 0 : i32
    %c0_i32_0 = arith.constant 0 : i32
    %c0_i32_1 = arith.constant 0 : i32
    return %arg0, %c0_i32, %c0_i32_0 : i32, i32, i32
  }
  func.func @transform_4(%arg0: i32, %arg1: i32) -> (i32, i32, i32) {
    %c0_i32 = arith.constant 0 : i32
    %c0_i32_0 = arith.constant 0 : i32
    %c0_i32_1 = arith.constant 0 : i32
    return %arg0, %c0_i32, %c0_i32_0 : i32, i32, i32
  }
  func.func @transform_5(%arg0: i32, %arg1: i32) -> (i32, i32, i32) {
    %c0_i32 = arith.constant 0 : i32
    %c0_i32_0 = arith.constant 0 : i32
    %c0_i32_1 = arith.constant 0 : i32
    return %arg0, %c0_i32, %c0_i32_0 : i32, i32, i32
  }
  func.func @transform_6(%arg0: i32, %arg1: i32) -> (i32, i32, i32) {
    %c0_i32 = arith.constant 0 : i32
    %c0_i32_0 = arith.constant 0 : i32
    return %arg0, %c0_i32, %arg1 : i32, i32, i32
  }
}

</mosaic_0001>

<sc_bundles>
// kernel: gather_offload_async_start
scs
__scs_entry_jumppad:
0x0: {  	(pc) =	sbr.rel $0x88, $3  }
0x1: {  	(tag) =	ssettag $0x0;
	lr =	simm.s32 $0x1  }
0x2: {  	[smem:$0x3F9F] =	sst lr;
	_ =	strace $0xD0000000  }
0x3: {  	_ = 	snop  }
0x4: {  	_ = 	snop  }
0x5: {  	_ = 	snop  }
0x6: {  	_ = 	snop  }
0x7: {  	_ = 	snop  }
__scs_overlays_trampoline_lowered:
0x8: {  	[smem:$0x3FAE] =	sst s0  }
0x9: {  	[smem:$0x3FAF] =	sst s1  }
0xa: {  	[smem:$0x3FB0] =	sst s2  }
0xb: {  	[smem:$0x3FB1] =	sst s3  }
0xc: {  	[smem:$0x3FB2] =	sst s4  }
0xd: {  	[smem:$0x3FB3] =	sst s5  }
0xe: {  	[smem:$0x3FB4] =	sst s6  }
0xf: {  	[smem:$0x3FB5] =	sst s7  }
0x10: {  	[smem:$0x3FB6] =	sst s8  }
0x11: {  	[smem:$0x3FB7] =	sst s9;
	s0 =	simm.s32 @!p0 $0x0  }
0x12: {  	s1 =	sld [smem:$0x3F9D];
	s0 =	simm.s32 @p0 $0x1  }
0x13: {  	[smem:$0x3FB8] =	sst s0;
	s0 =	simm.s32 @!p1 $0x0  }
0x14: {  	s2 =	sld [smem:$0x3F9C];
	s0 =	simm.s32 @p1 $0x1  }
0x15: {  	[smem:$0x3FB9] =	sst s0;
	s0 =	simm.s32 @!p2 $0x0  }
0x16: {  	s3 =	sld [smem:$0x3FDB];
	s0 =	simm.s32 @p2 $0x1  }
0x17: {  	s4 =	simm.s32 $0x1BF5;
	[smem:$0x3FBB] =	sst s0  }
0x18: {  	s0 =	sld [smem:$0x3F9E];
	_ =	swait.ge [sflag:s4], $0x0  }
0x19: {  	s7 =	sld [smem:$0x3F9F]  }
0x1a: {  	s8 =	sadd.s32 $0xFFFFE003, lr  }
0x1b: {  	s9 =	sadd.s32 $0xFFFFFEF7, lr;
	s5 =	simm.s32 $0xFFFFFFFF;
	p2 =	slt.u32 s8, $0xFFFFF086  }
0x1c: {  	p1 =	slt.u32 s9, $0xF7A;
	s5 =	simm.s32 @!p2 $0x0  }
0x1d: {  	s5 =	simm.s32 @p1 $0x1;
	p0 =	seq.s32 s7, s2  }
0x1e: {  	s7 =	smul.u32 @!p0 $0xF7A, s2;
	p2 =	seq.s32 @!p0 s5, $0x0  }
0x1f: {  	s9 =	smul.u32 $0xF7A, s1;
	s8 =	simm.s32 @!p0 $0x1BF5;
	p2 =	por !p2, p0  }
0x20: {  	[sflag:s8] =	ssyncset.s32 @!p0 $0xFFFFF086;
	s6 =	sadd.s32 @!p0 s3, s7;
	s7 =	simm.s32 @!p0 $0x108  }
0x21: {  	s3 =	sadd.s32 s3, s9;
	s6 =	sadd.s32 @!p0 $0x88, s6;
	s7 =	simm.s32 @p2 $0x1082  }
0x22: {  	[simem:s7], [sflag:s8] =	dma.local @!p0 [hbm:s6], $0xF7A  }
0x23: {  	s9 =	sor.u32 $0xD0000000, s2;
	s6 =	simm.s32 $0x108;
	_ =	swait.ge @!p0 [sflag:s8], $0x0  }
0x24: {  	s3 =	sadd.s32 $0x88, s3;
	s6 =	simm.s32 @!p1 $0x1082;
	[sflag:s4] =	ssyncset.s32 $0xFFFFF086  }
0x25: {  	[simem:s6], [sflag:s4] =	dma.local [hbm:s3], $0xF7A  }
0x26: {  	[smem:$0x3F9F] =	sst s1;
	(tag) =	ssettag s2;
	_ =	strace s9  }
0x27: {  	s1 =	sld [smem:$0x3FAF]  }
0x28: {  	s2 =	sld [smem:$0x3FB0]  }
0x29: {  	s4 =	sld [smem:$0x3FB2]  }
0x2a: {  	p0 =	seq.s32 s5, $0x0;
	s5 =	sld [smem:$0x3FB3]  }
0x2b: {  	s6 =	sld [smem:$0x3FB4]  }
0x2c: {  	s7 =	sld [smem:$0x3FB5]  }
0x2d: {  	s3 =	simm.s32 $0x108;
	s8 =	sld [smem:$0x3FB6]  }
0x2e: {  	s3 =	simm.s32 @!p0 $0x1082;
	s9 =	sld [smem:$0x3FB7]  }
0x2f: {  	lr =	sadd.s32 s0, s3;
	s0 =	sld [smem:$0x3FAE]  }
0x30: {  	s3 =	sld [smem:$0x3FB1]  }
0x31: {  	[smem:$0x3FBA] =	sst s10  }
0x32: {  	s10 =	sld [smem:$0x3FB8];
	_ =	sdelay $0x3  }
0x33: {  	p0 =	seq.s32 s10, $0x1;
	s10 =	sld [smem:$0x3FBA];
	_ =	sdelay $0x3  }
0x34: {  	[smem:$0x3FBA] =	sst s10  }
0x35: {  	s10 =	sld [smem:$0x3FB9];
	_ =	sdelay $0x3  }
0x36: {  	p1 =	seq.s32 s10, $0x1;
	s10 =	sld [smem:$0x3FBA];
	_ =	sdelay $0x3  }
0x37: {  	[smem:$0x3FBA] =	sst s10  }
0x38: {  	s10 =	sld [smem:$0x3FBB]  }
0x39: {  	_ = 	snop;
	(pc) =	sbr.ind lr, $3  }
0x3a: {  	_ = 	snop  }
0x3b: {  	_ = 	snop  }
0x3c: {  	p2 =	seq.s32 s10, $0x1;
	s10 =	sld [smem:$0x3FBA]  }
0x3d: {  	_ =	shalt  }
0x3e: {  	_ =	shalt  }
0x3f: {  	_ =	shalt  }
0x40: {  	_ =	shalt  }
0x41: {  	_ =	shalt  }
0x42: {  	_ =	shalt  }
0x43: {  	_ =	shalt  }
0x44: {  	_ =	shalt  }
0x45: {  	_ =	shalt  }
0x46: {  	_ =	shalt  }
0x47: {  	_ =	shalt  }
0x48: {  	_ =	shalt  }
0x49: {  	_ =	shalt  }
0x4a: {  	_ =	shalt  }
0x4b: {  	_ =	shalt  }
0x4c: {  	_ =	shalt  }
0x4d: {  	_ =	shalt  }
0x4e: {  	_ =	shalt  }
0x4f: {  	_ =	shalt  }
0x50: {  	_ =	shalt  }
0x51: {  	_ =	shalt  }
0x52: {  	_ =	shalt  }
0x53: {  	_ =	shalt  }
0x54: {  	_ =	shalt  }
0x55: {  	_ =	shalt  }
0x56: {  	_ =	shalt  }
0x57: {  	_ =	shalt  }
0x58: {  	_ =	shalt  }
0x59: {  	_ =	shalt  }
0x5a: {  	_ =	shalt  }
0x5b: {  	_ =	shalt  }
0x5c: {  	_ =	shalt  }
0x5d: {  	_ =	shalt  }
0x5e: {  	_ =	shalt  }
0x5f: {  	_ =	shalt  }
0x60: {  	_ =	shalt  }
0x61: {  	_ =	shalt  }
0x62: {  	_ =	shalt  }
0x63: {  	_ =	shalt  }
0x64: {  	_ =	shalt  }
0x65: {  	_ =	shalt  }
0x66: {  	_ =	shalt  }
0x67: {  	_ =	shalt  }
0x68: {  	_ =	shalt  }
0x69: {  	_ =	shalt  }
0x6a: {  	_ =	shalt  }
0x6b: {  	_ =	shalt  }
0x6c: {  	_ =	shalt  }
0x6d: {  	_ =	shalt  }
0x6e: {  	_ =	shalt  }
0x6f: {  	_ =	shalt  }
0x70: {  	_ =	shalt  }
0x71: {  	_ =	shalt  }
0x72: {  	_ =	shalt  }
0x73: {  	_ =	shalt  }
0x74: {  	_ =	shalt  }
0x75: {  	_ =	shalt  }
0x76: {  	_ =	shalt  }
0x77: {  	_ =	shalt  }
0x78: {  	_ =	shalt  }
0x79: {  	_ =	shalt  }
0x7a: {  	_ =	shalt  }
0x7b: {  	_ =	shalt  }
0x7c: {  	_ =	shalt  }
0x7d: {  	_ =	shalt  }
0x7e: {  	_ =	shalt  }
0x7f: {  	_ =	shalt  }
0x80: {  	_ =	shalt  }
0x81: {  	_ =	shalt  }
0x82: {  	_ =	shalt  }
0x83: {  	_ =	shalt  }
0x84: {  	_ =	shalt  }
0x85: {  	_ =	shalt  }
0x86: {  	_ =	shalt  }
0x87: {  	_ =	shalt  }
.Lfunc_end0:
.L_simem_size_0:
called_computation_lowered:
.L_overlay_start_0:
0x88: {  	s2 =	sld [smem:$0x3FD9]  }
0x89: {  	s3 =	sld [smem:$0x3FFE];
	_ =	sdelay $0x1  }
0x8a: {  	s1 =	srdreg.scid  }
0x8b: {  	s0 =	sand.u32 $0x1, s1  }
0x8c: {  	s17 =	sshll.u32 s0, $0xA;
	s2 =	sadd.s32 s3, s2  }
0x8d: {  	s2 =	sadd.s32 s2, s17  }
0x8e: {  	[smem:$0x3FC6] =	sst s2  }
0x8f: {  	_ = 	snop  }
0x90: {  	s2 =	sld [smem:$0x3FD0];
	(tm) =	ssettm $0x1  }
0x91: {  	s18 =	sld [smem:$0x3FFB];
	_ =	sdelay $0x3  }
0x92: {  	_ =	strace s18  }
0x93: {  	s3 =	sld [smem:$0x3FFC];
	_ =	sdelay $0x3  }
0x94: {  	_ =	strace s3  }
0x95: {  	s3 =	sld [smem:$0x3FFD];
	_ =	sdelay $0x3  }
0x96: {  	_ =	strace s3  }
0x97: {  	_ =	strace $0x8FFFFFFF  }
0x98: {  	s19 =	sld [smem:$0x3FDB];
	_ =	sdelay $0x1  }
0x99: {  	s4 =	simm.s32 $_scs_section_size  }
0x9a: {  	s5 =	simm.s32 $_size__tile_overlayer_lowered;
	s6 =	simm.s32 $_tile_overlayer_lowered  }
0x9b: {  	s22 =	simm.s32 $0x1BFF;
	s21 =	sshll.u32 s6, $0x1;
	s3 =	sadd.s32 s4, s19  }
0x9c: {  	s7 =	simm.s32 $0x0;
	s20 =	sshll.u32 s5, $0x1;
	s5 =	sadd.s32 s21, s3  }
0x9d: {  	[timem:s7], [sflag:s22] =	dma.local [hbm:s5], s20  }
0x9e: {  	_ =	swait.ge [sflag:s22], s20  }
0x9f: {  	s4 =	ssub.s32 $0x0, s20;
	[sflag:s22] =	ssyncset.done $0x0  }
0xa0: {  	[sflag:s22] =	ssyncadd.s32 s4;
	_ =	sdelay $0x1  }
0xa1: {  	s23 =	simm.s32 $0x1B8B  }
0xa2: {  	_ =	swait.ge [sflag:s23], $0x1  }
0xa3: {  	[sflag:s23] =	ssyncset.done $0x0  }
0xa4: {  	s25 =	simm.s32 $0x1B8E;
	s24 =	sld [smem:$0x3FFE];
	[sflag:s23] =	ssyncadd.s32 $0xFFFFFFFF  }
0xa5: {  	s26 =	simm.s32 $execute0_lowered;
	[smem:$0x3FD2] =	sst s25  }
0xa6: {  	s5 =	sshll.u32 s26, $0x1;
	_ =	strace $0x80000046;
	[dreg:$0x1] =	wrdreg $0xFFFFFFFF  }
0xa7: {  	s28 =	simm.s32 $_size_execute0_lowered;
	s3 =	sadd.s32 s3, s5;
	[dreg:$0x0] =	wrdreg $0x0  }
0xa8: {  	s5 =	sshll.u32 s28, $0x1;
	[dreg:$0x2] =	wrdreg s3  }
0xa9: {  	[dreg:$0x3] =	wrdreg s5  }
0xaa: {  	[dreg:$0x4] =	wrdreg $0xC0  }
0xab: {  	_ =	task [dreg:s7], $0x5FFFF  }
0xac: {  	[dreg:$0x1] =	wrdreg $0xFFFFFFFF  }
0xad: {  	[dreg:$0x0] =	wrdreg $0x60  }
0xae: {  	[dreg:$0x2] =	wrdreg s24  }
0xaf: {  	[dreg:$0x3] =	wrdreg s2  }
0xb0: {  	[dreg:$0x4] =	wrdreg $0x9  }
0xb1: {  	_ =	task.clear_ibuf [dreg:s7], $0x5FFFF;
	_ =	strace $0x90000046  }
0xb2: {  	s29 =	simm.s32 $0x9;
	_ =	strace $0x80000048  }
0xb3: {  	_ =	swait.ge [sflag:s29], $0x1  }
0xb4: {  	[sflag:s29] =	ssyncadd.s32 $0xFFFFFFFF  }
0xb5: {  	_ =	strace $0x90000048  }
0xb6: {  	_ =	sfence  }
0xb7: {  	s30 =	sld [smem:$0x0];
	_ =	sdelay $0x2  }
0xb8: {  	s31 =	sshll.u32 s1, $0xD;
	s1 =	sshrl.u32 s1, $0x2  }
0xb9: {  	s3 =	sand.u32 $0x4000, s31;
	s1 =	sadd.s32 s1, s30  }
0xba: {  	s0 =	sor.u32 s3, s0;
	s1 =	sshll.u32 s1, $0x11  }
0xbb: {  	s0 =	sor.u32 s1, s0  }
0xbc: {  	s0 =	sadd.s32 $0x8F2B, s0  }
0xbd: {  	[sflag:s0] =	ssyncadd.remote.s32 $0x1  }
0xbe: {  	_ =	sfence.sel $0xFFFF  }
0xbf: {  	[dreg:$0x0] =	wrdreg $0xFFFFFFFF;
	(pc) =	sbr.abs _section_cstart, $3  }
0xc0: {  	[dreg:$0x1] =	wrdreg $0xFFFFFFFF  }
0xc1: {  	_ =	task.clear_ibuf [dreg:s7], $0x2FFFF;
	_ =	strace $0x9FFFFFFF  }
0xc2: {  	(tm) =	ssettm $0x7FFFFFFF  }
0xc3: {  	_ =	shalt  }
tec
execute0_lowered:
.L_overlay_start_1:
0x0: {  	(tag) =	ssettag $0x1  }
0x1: {  	s2 =	rddreg [dreg:$0x0]  }
0x2: {  	s3 =	rddreg [dreg:$0x1]  }
0x3: {  	s0 =	rddreg [dreg:$0x2];
	s1 =	srdreg.scid;
	_ =	strace $0x80000047  }
0x4: {  	s4 =	simm.s32 $0x1;
	s9 =	simm.s32 $0x3;
	s5 =	sshll.u32 s1, $0x4  }
.Ltmp0:
0x5: {  	s1 =	stileid.u32;
	s5 =	sand.u32 $0x10, s5;
	(pc) =	sbr.rel .LBB2_1-.Ltmp0, $4  }
0x6: {  	s12 =	simm.s32 $0x0;
	s10 =	simm.s32 $0x0;
	s6 =	sor.u32 s1, s5  }
0x7: {  	[sflag:s4] =	ssyncpa.u1 $0x0;
	s5 =	simm.s32 $0x2;
	s6 =	sshll.u32 s6, $0x8  }
0x8: {  	s7 =	sadd.s32 $0x20000, s2;
	[sflag:s5] =	ssyncpa.u1 $0x0;
	s8 =	sadd.s32 $0x100, s6  }
0x9: {  	vm0 =	vmmov $0xff;
	vm1 =	vcmask $0x3F20;
	[sflag:s9] =	ssyncpa.u1 $0x0;
	s9 =	simm.s32 $0x100;
	s11 =	smov.u32 s6  }
.LBB2_9:
0xa: {  	p0 =	seq.s32 s10, $0x2  }
.Ltmp1:
0xb: {  	_ = 	snop;
	(pc) =	sbr.rel @p0 .LBB2_11-.Ltmp1, $1  }
0xc: {  	_ =	sdelay $0x3  }
.LBB2_10:
0xd: {  	s12 =	sadd.s32 $0x100, s11  }
0xe: {  	s13 =	smov.u32 s6;
	p0 =	slt.s32 s12, s8  }
0xf: {  	s13 =	smov.u32 @p0 s12  }
0x10: {  	s10 =	sadd.s32 $0x1, s10;
	s12 =	smov.u32 s11;
	s11 =	smov.u32 s13  }
.LBB2_1:
0x11: {  	p0 =	sne.s32 s10, $0x0  }
.Ltmp2:
0x12: {  	_ = 	snop;
	(pc) =	sbr.rel @!p0 .LBB2_2-.Ltmp2, $1  }
0x13: {  	_ =	sdelay $0x3  }
0x14: {  	s13 =	sand.u32 $0x1, s10  }
0x15: {  	p0 =	seq.s32 s13, $0x0  }
.Ltmp3:
0x16: {  	_ = 	snop;
	(pc) =	sbr.rel @p0 .LBB2_9-.Ltmp3, $1  }
0x17: {  	_ =	sdelay $0x3  }
0x18: {  	_ =	swait.ge [sflag:s5], $0x100  }
0x19: {  	[sflag:s5] =	ssyncset.done $0x0  }
0x1a: {  	s13 =	simm.s32 $0x0;
	[sflag:s5] =	ssyncadd.s32 $0xFFFFFF00  }
0x1b: {  	v0 =	vld.msk [tilespmem:s13+$0x100 ss:$0x1], $0xffff;
	_ =	sdelay $0x4  }
0x1c: {  	v1 =	vshll.u32 v0, $0x6  }
0x1d: {  	vm2 =	veq.s32 v0, $0x80000000;
	v0 =	vshll.u32 v0, $0x13;
	v1 =	vand.u32 $0x7FF80, v1  }
0x1e: {  	v0 =	vand.u32 $0x80000, v0;
	v1 =	vsel vm2, $0xFFFFFF80, v1  }
0x1f: {  	v0 =	vsel vm2, $0xFFF80000, v0;
	v2 =	vand.u32 $0xFFFFFC00, v1  }
0x20: {  	v1 =	vand.u32 $0x380, v1;
	v0 =	vadd.s32 v0, v2  }
0x21: {  	v0 =	vor.u32 v1, v0  }
0x22: {  	v0 =	vshrl.u32 v0, $0x3;
	_ =	sdelay $0x3  }
0x23: {  	s13 =	simm.s32 $0x8200  }
0x24: {  	[tilespmem:s13], [sflag:$0x1] =	stream.indirect_vreg.gather [hbm:s2], $0x80, v0, vm0, $0x38;
	[tilespmem:$0x10200] =	vst v63  }
0x25: {  	s14 =	simm.s32 $0x8600;
	s31 =	simm.s32 $0x10  }
0x26: {  	[tilespmem:s14], [sflag:$0x1] =	stream.indirect_vreg.gather [hbm:s2], $0x80, v0, vm1, $0x38;
	[tilespmem:$0x10200] =	vst v63  }
0x27: {  	s14 =	simm.s32 $0x80;
	v0 =	vld.msk [tilespmem:s31+$0x100 ss:$0x1], $0xffff  }
.LBB2_5:
0x28: {  	p0 =	sne.s32 s14, $0x3C0;
	_ =	sdelay $0x4  }
0x29: {  	v1 =	vshll.u32 v0, $0x6  }
0x2a: {  	vm2 =	veq.s32 v0, $0x80000000;
	v0 =	vshll.u32 v0, $0x13;
	v1 =	vand.u32 $0x7FF80, v1  }
0x2b: {  	v0 =	vand.u32 $0x80000, v0;
	v1 =	vsel vm2, $0xFFFFFF80, v1  }
0x2c: {  	v0 =	vsel vm2, $0xFFF80000, v0;
	v2 =	vand.u32 $0xFFFFFC00, v1  }
0x2d: {  	v1 =	vand.u32 $0x380, v1;
	v0 =	vadd.s32 v0, v2  }
0x2e: {  	v0 =	vor.u32 v1, v0  }
0x2f: {  	v0 =	vshrl.u32 v0, $0x3;
	_ =	sdelay $0x3  }
.Ltmp4:
0x30: {  	s13 =	sadd.s32 $0x800, s13;
	(pc) =	sbr.rel @p0 .LBB2_5-.Ltmp4, $4  }
0x31: {  	[tilespmem:s13], [sflag:$0x1] =	stream.indirect_vreg.gather [hbm:s2], $0x80, v0, vm0, $0x38;
	[tilespmem:$0x10200] =	vst v63  }
0x32: {  	s15 =	sshra.s32 s14, $0x2;
	s16 =	sadd.s32 $0x400, s13  }
0x33: {  	[tilespmem:s16], [sflag:$0x1] =	stream.indirect_vreg.gather [hbm:s2], $0x80, v0, vm1, $0x38;
	[tilespmem:$0x10200] =	vst v63  }
0x34: {  	s14 =	sadd.s32 $0x40, s14;
	v0 =	vld.msk [tilespmem:s15+$0x100 ss:$0x1], $0xffff  }
0x35: {  	_ =	sdelay $0x3  }
0x36: {  	v1 =	vshll.u32 v0, $0x6  }
0x37: {  	vm2 =	veq.s32 v0, $0x80000000;
	v63 =	vshll.u32 v0, $0x13;
	v1 =	vand.u32 $0x7FF80, v1  }
0x38: {  	v0 =	vand.u32 $0x80000, v63;
	v1 =	vsel vm2, $0xFFFFFF80, v1  }
0x39: {  	v0 =	vsel vm2, $0xFFF80000, v0;
	v2 =	vand.u32 $0xFFFFFC00, v1  }
0x3a: {  	v1 =	vand.u32 $0x380, v1;
	v0 =	vadd.s32 v0, v2  }
0x3b: {  	v0 =	vor.u32 v1, v0  }
0x3c: {  	v0 =	vshrl.u32 v0, $0x3;
	_ =	sdelay $0x3  }
0x3d: {  	s13 =	sadd.s32 $0x800, s13  }
0x3e: {  	[tilespmem:s13], [sflag:$0x1] =	stream.indirect_vreg.gather [hbm:s2], $0x80, v0, vm0, $0x38;
	[tilespmem:$0x10200] =	vst v63  }
0x3f: {  	s13 =	sadd.s32 $0x400, s13  }
0x40: {  	[tilespmem:s13], [sflag:$0x1] =	stream.indirect_vreg.gather [hbm:s2], $0x80, v0, vm1, $0x38;
	[tilespmem:$0x10200] =	vst v63  }
0x41: {  	s12 =	sshll.u32 s12, $0x4;
	s14 =	simm.s32 $0x80;
	_ =	swait.ge [sflag:s4], $0x8000  }
0x42: {  	s15 =	simm.s32 $0x8600;
	s12 =	sadd.s32 s12, s7;
	[sflag:s4] =	ssyncset.done $0x0  }
0x43: {  	s16 =	sadd.s32 $0x0, s12;
	s13 =	simm.s32 $0x8200;
	[sflag:s4] =	ssyncadd.s32 $0xFFFF8000  }
.LBB2_7:
0x44: {  	[hbm:s16] =	stream.linear.scatter [tilespmem:s13], [sflag:$0x3], $0x400, $0x38;
	[tilespmem:$0x10200] =	vst v63  }
0x45: {  	s16 =	smov.u32 s14;
	s13 =	smov.u32 s15;
	p0 =	sne.s32 s14, $0xF80  }
.Ltmp5:
0x46: {  	s14 =	sadd.s32 $0x80, s14;
	(pc) =	sbr.rel @p0 .LBB2_7-.Ltmp5, $2  }
0x47: {  	_ =	sdelay $0x2  }
0x48: {  	s15 =	sadd.s32 $0x400, s15;
	s16 =	sadd.s32 s16, s12  }
.Ltmp6:
0x49: {  	(pc) =	sbr.rel .LBB2_9-.Ltmp6, $2  }
0x4a: {  	_ =	sdelay $0x2  }
0x4b: {  	[hbm:s16] =	stream.linear.scatter [tilespmem:s13], [sflag:$0x3], $0x400, $0x38;
	[tilespmem:$0x10200] =	vst v63  }
.LBB2_2:
.Ltmp7:
0x4c: {  	(pc) =	sbr.rel .LBB2_10-.Ltmp7, $4  }
0x4d: {  	_ = 	snop  }
0x4e: {  	s12 =	sshrl.u32 s11, $0x3  }
0x4f: {  	s13 =	sand.u32 $0x7, s11;
	s12 =	sadd.s32 s3, s12  }
0x50: {  	[tilespmem:s9], [sflag:$0x2] =	stream.linear.gather [hbm4b:s12+s13], $0x100, $0x38;
	[tilespmem:$0x10200] =	vst v63  }
.LBB2_11:
0x51: {  	s2 =	simm.s32 $0x3  }
0x52: {  	_ =	swait.ge [sflag:s2], $0x8000  }
0x53: {  	[sflag:s2] =	ssyncset.done $0x0  }
0x54: {  	[sflag:s2] =	ssyncadd.s32 $0xFFFF8000  }
0x55: {  	_ =	sfence.sel $0x180000  }
0x56: {  	s3 =	simm.s32 $0x2;
	[bflag:$0x0] =	sbarrier.arrive $0xFFFF  }
0x57: {  	[sflag:s3] =	ssyncpa.u1 $0x1  }
0x58: {  	s31 =	simm.s32 $0x1;
	[sflag:s2] =	ssyncpa.u1 $0x1  }
0x59: {  	[sflag:s31] =	ssyncpa.u1 $0x1  }
0x5a: {  	p0 =	sne.s32 s1, $0x0;
	_ =	strace $0x90000047  }
0x5b: {  	s0 =	sadd.s32 @!p0 $0x100000, s0;
	[bflag:$0x2] =	sbarrier.arrive $0xFFFF  }
0x5c: {  	[sflag:s0] =	ssyncadd.tile.s32 @!p0 $0x1;
	_ =	shalt  }
.Lfunc_end2:
_tile_overlayer_lowered:
.L_overlay_start_2:
0x5d: {  	(tag) =	ssettag $0x2  }
0x5e: {  	s0 =	rddreg [dreg:$0x0];
	s2 =	stileid.u32  }
0x5f: {  	s1 =	rddreg [dreg:$0x1];
	p0 =	sne.s32 s2, $0x0  }
0x60: {  	s3 =	rddreg [dreg:$0x2];
	[bflag:$0x3] =	sbarrier.arrive $0xFFFF;
	s2 =	simm.s32 @!p0 $0x1C01  }
0x61: {  	[timem:s3], [sflag:s2] =	dma.local @!p0 [hbm:s0], s1  }
0x62: {  	s0 =	simm.s32 @!p0 $0x1  }
0x63: {  	_ =	swait.ge @!p0 [sflag:s0], s1  }
0x64: {  	s1 =	ssub.s32 @!p0 $0x0, s1;
	[sflag:s0] =	ssyncset.done @!p0 $0x0  }
0x65: {  	[sflag:s0] =	ssyncadd.s32 @!p0 s1  }
0x66: {  	[bflag:$0x3] =	sbarrier.arrive $0xFFFF  }
0x67: {  	_ =	shalt  }

</sc_bundles>
